<compile_context>
chip_gen: v7x
topology: tpu7x:2x2x1
jax: 0.10.2.dev20260603
libtpu: 0.0.44.dev20260713+nightly
codegen_flags: <defaults>
</compile_context>

<pallas_src>
import functools

import jax
import jax.numpy as jnp
import numpy as np
from jax import lax
from jax.experimental import pallas as pl
from jax.experimental.pallas import tpu as pltpu
from jax.experimental.pallas import tpu_sc as plsc

B, N = 64, 1024
NWORKERS = 32
ROWS_PER_W = B // NWORKERS
SPAN = ROWS_PER_W * N


def _build_d() -> np.ndarray:
    d = np.zeros((32, 63), dtype=np.float32)
    for t in range(3):
        for j in range(10):
            col = 21 * t + 10 + j
            d[10 * t + j, col] = -1.0
            if j == 0:
                d[30, col] = 1.0
            else:
                d[10 * t + (j - 1), col] = 1.0
    return d


_D = _build_d()


def _sc_body(coords_hbm, out_hbm, rec_v):
    c = lax.axis_index("c")
    s = lax.axis_index("s")
    wid = s * 2 + c
    base = wid * ROWS_PER_W
    pltpu.sync_copy(coords_hbm.at[pl.ds(base, ROWS_PER_W), :, pl.ds(0, 16)],
                    rec_v)
    pltpu.sync_copy(rec_v, out_hbm.at[pl.ds(base, ROWS_PER_W)])


def _sc_compact(coords):
    mesh = plsc.VectorSubcoreMesh(core_axis_name="c", subcore_axis_name="s")
    kfn = functools.partial(
        pl.kernel, mesh=mesh,
        compiler_params=pltpu.CompilerParams(use_tc_tiling_on_sc=False),
        out_type=jax.ShapeDtypeStruct((B, N, 16), jnp.float32),
        scratch_types=[
            pltpu.VMEM((ROWS_PER_W, N, 16), jnp.float32),
        ],
    )(_sc_body)
    return kfn(coords)


def _tc_kernel(x_ref, idx_ref, thr_ref, d_ref, out_ref):
    x = x_ref[0]
    idx = idx_ref[0]
    n = x.shape[0]

    c9 = x[:, 0:9]
    zero_row6 = jnp.zeros((1, 6), dtype=jnp.float32)
    c6s = jnp.concatenate([x[1:, 0:6], zero_row6], axis=0)

    d_idx = idx[1:, :] - idx[:-1, :]
    good_col = jnp.concatenate(
        [jnp.where(d_idx == 1, 1.0, 0.0).astype(jnp.float32),
         jnp.zeros((1, 1), dtype=jnp.float32)], axis=0)

    m = jnp.concatenate([c9, good_col], axis=1)
    mt = jnp.transpose(m)
    xst = jnp.transpose(c6s)

    Na, CA, C = mt[0:3], mt[3:6], mt[6:9]
    good = mt[9:10] > 0.5
    Nn, CAn = xst[0:3], xst[3:6]

    def cosine(v1, v2):
        dot = jnp.sum(v1 * v2, axis=0, keepdims=True)
        n1 = jnp.sqrt(jnp.sum(v1 * v1, axis=0, keepdims=True))
        n2 = jnp.sqrt(jnp.sum(v2 * v2, axis=0, keepdims=True))
        cc = dot / (n1 * n2 + 1e-10)
        return jnp.clip(cc, -1.0 + 1e-7, 1.0 - 1e-7)

    c1 = cosine(Na - CA, C - CA)
    c2 = jnp.where(good, cosine(CA - C, Nn - C), 2.0)
    c3 = jnp.where(good, cosine(C - Nn, CAn - Nn), 2.0)

    row = lax.broadcasted_iota(jnp.int32, (32, n), 0)
    cb = jnp.where(row < 10, jnp.broadcast_to(c1, (32, n)),
                   jnp.where(row < 20, jnp.broadcast_to(c2, (32, n)),
                             jnp.broadcast_to(c3, (32, n))))
    thr = thr_ref[:, 0:1]
    u_t = jnp.where(cb < thr, 1.0, 0.0).astype(jnp.float32)

    feats = lax.dot_general(
        u_t, d_ref[...],
        dimension_numbers=(((0,), (0,)), ((), ())),
        preferred_element_type=jnp.float32)
    out_ref[0] = feats


@jax.jit
def kernel(coords, mask, residue_pdb_idx):
    del mask
    compact = _sc_compact(coords.reshape(B, N, 111))
    xc = compact
    idx3 = residue_pdb_idx.astype(jnp.int32).reshape(B, N, 1)

    limits = jnp.linspace(-jnp.pi, jnp.pi, 20)
    thr10 = jnp.cos(limits[10:])
    thr32 = jnp.concatenate(
        [jnp.tile(thr10, 3), jnp.array([4.0, -4.0], dtype=jnp.float32)])
    thr = jnp.broadcast_to(thr32[:, None], (32, 128))
    d = jnp.asarray(_D)

    out = pl.pallas_call(
        _tc_kernel,
        grid=(B,),
        in_specs=[
            pl.BlockSpec((1, N, 16), lambda i: (i, 0, 0)),
            pl.BlockSpec((1, N, 1), lambda i: (i, 0, 0)),
            pl.BlockSpec((32, 128), lambda i: (0, 0)),
            pl.BlockSpec((32, 63), lambda i: (0, 0)),
        ],
        out_specs=pl.BlockSpec((1, N, 63), lambda i: (i, 0, 0)),
        out_shape=jax.ShapeDtypeStruct((B, N, 63), jnp.float32),
    )(xc, idx3, thr, d)
    return out

# --- scband reference (transcript-rebuilt; emitter-appended) ---
"""Pipeline reference for scband-backbone-bond-angles-seq-feat-31421980737691 (READ-ONLY COPY).

The authoritative reference and input builder live on the scoring server;
editing this copy changes nothing except your own understanding.
"""

import jax, jax.numpy as jnp
import numpy as np


def bond_angles(A, B, C):
    # angle at vertex B between vectors (A-B) and (C-B)
    v1 = A - B
    v2 = C - B
    dot = jnp.sum(v1 * v2, axis=-1)
    n1 = jnp.linalg.norm(v1, axis=-1)
    n2 = jnp.linalg.norm(v2, axis=-1)
    cos = dot / (n1 * n2 + 1e-10)
    cos = jnp.clip(cos, -1.0 + 1e-7, 1.0 - 1e-7)
    return jnp.arccos(cos)


def bin_and_one_hot(tensor, bin_limits):
    # torch.bucketize(t, limits) with right=False == searchsorted side='left'
    bin_indices = jnp.searchsorted(bin_limits, tensor, side='left')
    return jax.nn.one_hot(bin_indices, bin_limits.shape[0] + 1, dtype=jnp.float32)


def setup_inputs(seed: int = 0) -> dict:
    key = jax.random.key(seed)
    k1, = jax.random.split(key, 1)
    b, n = 64, 1024
    coords = jax.random.normal(k1, (b, n, 37, 3), dtype=jnp.float32) * 3.0
    mask = jnp.ones((b, n, 37, 3), dtype=jnp.float32)
    # arange reshaped -> within each row consecutive diffs are exactly 1 (all good pairs)
    residue_pdb_idx = jnp.arange(b * n).reshape(b, n)
    return {"coords": coords, "mask": mask, "residue_pdb_idx": residue_pdb_idx}


def reference(coords, mask, residue_pdb_idx):
    a37 = coords
    # mask = mask[..., 0, 0] is computed in the original forward but never used
    _ = mask[..., 0, 0]
    N = a37[:, :, 0, :]
    CA = a37[:, :, 1, :]
    C = a37[:, :, 2, :]
    theta_1 = bond_angles(N, CA, C)
    theta_2 = bond_angles(CA[:, :-1, :], C[:, :-1, :], N[:, 1:, :])
    theta_3 = bond_angles(C[:, :-1, :], N[:, 1:, :], CA[:, 1:, :])
    idx = residue_pdb_idx
    good_pair = (idx[:, 1:] - idx[:, :-1]) == 1
    theta_2 = theta_2 * good_pair
    theta_3 = theta_3 * good_pair
    b = a37.shape[0]
    zero_pad = jnp.zeros((b, 1), dtype=theta_2.dtype)
    theta_2 = jnp.concatenate([theta_2, zero_pad], axis=-1)
    theta_3 = jnp.concatenate([theta_3, zero_pad], axis=-1)
    bb_angles = jnp.stack([theta_1, theta_2, theta_3], axis=-1)  # [b, n, 3]
    bin_limits = jnp.linspace(-jnp.pi, jnp.pi, 20)
    feats = bin_and_one_hot(bb_angles, bin_limits)  # [b, n, 3, 21]
    # einops 'b n t d -> b n (t d)'
    return feats.reshape(feats.shape[0], feats.shape[1], -1)

if __name__ == "__main__":
    import jax
    _d = setup_inputs()
    print(jax.jit(kernel)(*tuple(_d.values())))

</pallas_src>

<mosaic_0001>
#map = affine_map<(d0, d1) -> (0, 0, 0)>
module attributes {stable_mosaic.version = 14 : i64} {
  func.func @_sc_body(%arg0: i32, %arg1: i32, %arg2: memref<64x1024x111xf32, #tpu.memory_space<hbm>>, %arg3: memref<64x1024x16xf32, #tpu.memory_space<hbm>>, %arg4: memref<2x1024x16xf32, #tpu.memory_space<vmem>>) attributes {dimension_semantics = [#tpu.dimension_semantics<core_parallel>, #tpu.dimension_semantics<subcore_parallel>], iteration_bounds = array<i64: 2, 16>, scalar_prefetch = 0 : i64, scratch_operands = 1 : i64, tpu.core_type = #tpu.core_type<sc_vector_subcore>, window_params = [{transform_indices = #map}, {transform_indices = #map}]} {
    %mul3A = arith.constant 2 : i32
    %mul3A_0 = arith.muli %arg1, %mul3A : i32
    %add3A = arith.addi %mul3A_0, %arg0 : i32
    %mul3A_1 = arith.constant 2 : i32
    %mul3A_2 = arith.muli %add3A, %mul3A_1 : i32
    "tpu.region"() ({
      %run_scoped3A = tpu.sem_alloc : memref<!tpu.dma_semaphore, #tpu.memory_space<semaphore_mem>>
      %dma_start3A = arith.constant 0 : i32
      %dma_start3A_3 = arith.constant 0 : i32
      %dma_start3A_4 = tpu.memref_slice %arg2[%mul3A_2, %dma_start3A, %dma_start3A_3] : memref<64x1024x111xf32, #tpu.memory_space<hbm>> -> memref<2x1024x16xf32, #tpu.memory_space<hbm>>
      %dma_start3A_5 = arith.constant 0 : i32
      %dma_start3A_6 = arith.constant 0 : i32
      %dma_start3A_7 = tpu.memref_slice %arg2[%mul3A_2, %dma_start3A_5, %dma_start3A_6] : memref<64x1024x111xf32, #tpu.memory_space<hbm>> -> memref<2x1024x16xf32, #tpu.memory_space<hbm>>
      tpu.enqueue_dma source(%dma_start3A_7 : memref<2x1024x16xf32, #tpu.memory_space<hbm>>) target(%arg4 : memref<2x1024x16xf32, #tpu.memory_space<vmem>>) target_semaphore(%run_scoped3A : memref<!tpu.dma_semaphore, #tpu.memory_space<semaphore_mem>>)
      %dma_wait3A = arith.constant 0 : i32
      %dma_wait3A_8 = arith.constant 0 : i32
      %dma_wait3A_9 = tpu.memref_slice %arg2[%mul3A_2, %dma_wait3A, %dma_wait3A_8] : memref<64x1024x111xf32, #tpu.memory_space<hbm>> -> memref<2x1024x16xf32, #tpu.memory_space<hbm>>
      %dma_wait3A_10 = arith.constant 0 : i32
      %dma_wait3A_11 = arith.constant 0 : i32
      %dma_wait3A_12 = tpu.memref_slice %arg2[%mul3A_2, %dma_wait3A_10, %dma_wait3A_11] : memref<64x1024x111xf32, #tpu.memory_space<hbm>> -> memref<2x1024x16xf32, #tpu.memory_space<hbm>>
      tpu.wait_dma2 semaphore(%run_scoped3A : memref<!tpu.dma_semaphore, #tpu.memory_space<semaphore_mem>>) src(%dma_wait3A_12 : memref<2x1024x16xf32, #tpu.memory_space<hbm>>) dst(%arg4 : memref<2x1024x16xf32, #tpu.memory_space<vmem>>)
      tpu.yield
    }) : () -> ()
    "tpu.region"() ({
      %run_scoped3A = tpu.sem_alloc : memref<!tpu.dma_semaphore, #tpu.memory_space<semaphore_mem>>
      %dma_start3A = arith.constant 0 : i32
      %dma_start3A_3 = arith.constant 0 : i32
      %dma_start3A_4 = tpu.memref_slice %arg3[%mul3A_2, %dma_start3A, %dma_start3A_3] : memref<64x1024x16xf32, #tpu.memory_space<hbm>> -> memref<2x1024x16xf32, #tpu.memory_space<hbm>>
      %dma_start3A_5 = arith.constant 0 : i32
      %dma_start3A_6 = arith.constant 0 : i32
      %dma_start3A_7 = tpu.memref_slice %arg3[%mul3A_2, %dma_start3A_5, %dma_start3A_6] : memref<64x1024x16xf32, #tpu.memory_space<hbm>> -> memref<2x1024x16xf32, #tpu.memory_space<hbm>>
      tpu.enqueue_dma source(%arg4 : memref<2x1024x16xf32, #tpu.memory_space<vmem>>) target(%dma_start3A_7 : memref<2x1024x16xf32, #tpu.memory_space<hbm>>) target_semaphore(%run_scoped3A : memref<!tpu.dma_semaphore, #tpu.memory_space<semaphore_mem>>)
      %dma_wait3A = arith.constant 0 : i32
      %dma_wait3A_8 = arith.constant 0 : i32
      %dma_wait3A_9 = tpu.memref_slice %arg3[%mul3A_2, %dma_wait3A, %dma_wait3A_8] : memref<64x1024x16xf32, #tpu.memory_space<hbm>> -> memref<2x1024x16xf32, #tpu.memory_space<hbm>>
      %dma_wait3A_10 = arith.constant 0 : i32
      %dma_wait3A_11 = arith.constant 0 : i32
      %dma_wait3A_12 = tpu.memref_slice %arg3[%mul3A_2, %dma_wait3A_10, %dma_wait3A_11] : memref<64x1024x16xf32, #tpu.memory_space<hbm>> -> memref<2x1024x16xf32, #tpu.memory_space<hbm>>
      tpu.wait_dma2 semaphore(%run_scoped3A : memref<!tpu.dma_semaphore, #tpu.memory_space<semaphore_mem>>) src(%arg4 : memref<2x1024x16xf32, #tpu.memory_space<vmem>>) dst(%dma_wait3A_12 : memref<2x1024x16xf32, #tpu.memory_space<hbm>>)
      tpu.yield
    }) : () -> ()
    return
  }
}

module attributes {stable_mosaic.version = 14 : i64} {
  func.func @_tc_kernel(%arg0: i32, %arg1: memref<1x1024x16xf32, #tpu.memory_space<vmem>>, %arg2: memref<1x1024x1xi32, #tpu.memory_space<vmem>>, %arg3: memref<32x128xf32, #tpu.memory_space<vmem>>, %arg4: memref<32x63xf32, #tpu.memory_space<vmem>>, %arg5: memref<1x1024x63xf32, #tpu.memory_space<vmem>>) attributes {dimension_semantics = [#tpu.dimension_semantics<arbitrary>], iteration_bounds = array<i64: 64>, scalar_prefetch = 0 : i64, scratch_operands = 0 : i64, tpu.core_type = #tpu.core_type<tc>, window_params = [{transform_indices = @transform_0, window_bounds = array<i64: 1, 1024, 16>}, {transform_indices = @transform_1, window_bounds = array<i64: 1, 1024, 1>}, {pipeline_mode = #tpu.pipeline_mode<synchronous>, transform_indices = @transform_2, window_bounds = array<i64: 32, 128>}, {pipeline_mode = #tpu.pipeline_mode<synchronous>, transform_indices = @transform_3, window_bounds = array<i64: 32, 63>}, {transform_indices = @transform_4, window_bounds = array<i64: 1, 1024, 63>}]} {
    %get3A = arith.constant 0 : index
    %get3A_0 = arith.constant 0 : index
    %get3A_1 = arith.constant 0 : index
    %get3A_2 = vector.load %arg1[%get3A, %get3A_0, %get3A_1] : memref<1x1024x16xf32, #tpu.memory_space<vmem>>, vector<1x1024x16xf32>
    %get3A_3 = vector.shape_cast %get3A_2 : vector<1x1024x16xf32> to vector<1024x16xf32>
    %get3A_4 = arith.constant 0 : index
    %get3A_5 = arith.constant 0 : index
    %get3A_6 = arith.constant 0 : index
    %get3A_7 = vector.load %arg2[%get3A_4, %get3A_5, %get3A_6] : memref<1x1024x1xi32, #tpu.memory_space<vmem>>, vector<1x1024x1xi32>
    %get3A_8 = vector.shape_cast %get3A_7 : vector<1x1024x1xi32> to vector<1024x1xi32>
    %slice3A = vector.extract_strided_slice %get3A_3 {offsets = [0, 0], sizes = [1024, 9], strides = [1, 1]} : vector<1024x16xf32> to vector<1024x9xf32>
    %broadcast_in_dim3A = arith.constant 0.000000e+00 : f32
    %broadcast_in_dim3A_9 = vector.broadcast %broadcast_in_dim3A : f32 to vector<1x6xf32>
    %slice3A_10 = vector.extract_strided_slice %get3A_3 {offsets = [1, 0], sizes = [1023, 6], strides = [1, 1]} : vector<1024x16xf32> to vector<1023x6xf32>
    %concatenate3A = tpu.concatenate %slice3A_10, %broadcast_in_dim3A_9 in 0 : vector<1023x6xf32>, vector<1x6xf32> -> vector<1024x6xf32>
    %slice3A_11 = vector.extract_strided_slice %get3A_8 {offsets = [1, 0], sizes = [1023, 1], strides = [1, 1]} : vector<1024x1xi32> to vector<1023x1xi32>
    %slice3A_12 = vector.extract_strided_slice %get3A_8 {offsets = [0, 0], sizes = [1023, 1], strides = [1, 1]} : vector<1024x1xi32> to vector<1023x1xi32>
    %sub3A = arith.subi %slice3A_11, %slice3A_12 : vector<1023x1xi32>
    %eq3A = arith.constant 1 : i32
    %eq3A_13 = vector.broadcast %eq3A : i32 to vector<1023x1xi32>
    %eq3A_14 = arith.cmpi eq, %sub3A, %eq3A_13 : vector<1023x1xi32>
    %jit3A = arith.constant 1.000000e+00 : f32
    %jit3A_15 = arith.constant 0.000000e+00 : f32
    %broadcast_in_dim3A_16 = vector.broadcast %jit3A : f32 to vector<1023x1xf32>
    %broadcast_in_dim3A_17 = vector.broadcast %jit3A_15 : f32 to vector<1023x1xf32>
    %select_n3A = arith.select %eq3A_14, %broadcast_in_dim3A_16, %broadcast_in_dim3A_17 : vector<1023x1xi1>, vector<1023x1xf32>
    %broadcast_in_dim3A_18 = arith.constant 0.000000e+00 : f32
    %broadcast_in_dim3A_19 = vector.broadcast %broadcast_in_dim3A_18 : f32 to vector<1x1xf32>
    %concatenate3A_20 = tpu.concatenate %select_n3A, %broadcast_in_dim3A_19 in 0 : vector<1023x1xf32>, vector<1x1xf32> -> vector<1024x1xf32>
    %concatenate3A_21 = tpu.concatenate %slice3A, %concatenate3A_20 in 1 : vector<1024x9xf32>, vector<1024x1xf32> -> vector<1024x10xf32>
    %transpose3A = tpu.transpose %concatenate3A_21, [1, 0] : vector<1024x10xf32> -> vector<10x1024xf32>
    %transpose3A_22 = tpu.transpose %concatenate3A, [1, 0] : vector<1024x6xf32> -> vector<6x1024xf32>
    %slice3A_23 = vector.extract_strided_slice %transpose3A {offsets = [0, 0], sizes = [3, 1024], strides = [1, 1]} : vector<10x1024xf32> to vector<3x1024xf32>
    %slice3A_24 = vector.extract_strided_slice %transpose3A {offsets = [3, 0], sizes = [3, 1024], strides = [1, 1]} : vector<10x1024xf32> to vector<3x1024xf32>
    %slice3A_25 = vector.extract_strided_slice %transpose3A {offsets = [6, 0], sizes = [3, 1024], strides = [1, 1]} : vector<10x1024xf32> to vector<3x1024xf32>
    %slice3A_26 = vector.extract_strided_slice %transpose3A {offsets = [9, 0], sizes = [1, 1024], strides = [1, 1]} : vector<10x1024xf32> to vector<1x1024xf32>
    %gt3A = arith.constant 5.000000e-01 : f32
    %gt3A_27 = vector.broadcast %gt3A : f32 to vector<1x1024xf32>
    %gt3A_28 = arith.cmpf ogt, %slice3A_26, %gt3A_27 : vector<1x1024xf32>
    %slice3A_29 = vector.extract_strided_slice %transpose3A_22 {offsets = [0, 0], sizes = [3, 1024], strides = [1, 1]} : vector<6x1024xf32> to vector<3x1024xf32>
    %slice3A_30 = vector.extract_strided_slice %transpose3A_22 {offsets = [3, 0], sizes = [3, 1024], strides = [1, 1]} : vector<6x1024xf32> to vector<3x1024xf32>
    %sub3A_31 = arith.subf %slice3A_23, %slice3A_24 : vector<3x1024xf32>
    %sub3A_32 = arith.subf %slice3A_25, %slice3A_24 : vector<3x1024xf32>
    %mul3A = arith.mulf %sub3A_31, %sub3A_32 : vector<3x1024xf32>
    %reduce_sum3A = arith.constant dense<0.000000e+00> : vector<1024xf32>
    %reduce_sum3A_33 = vector.multi_reduction <add>, %mul3A, %reduce_sum3A [0] : vector<3x1024xf32> to vector<1024xf32>
    %broadcast_in_dim3A_34 = vector.shape_cast %reduce_sum3A_33 : vector<1024xf32> to vector<1x1024xf32>
    %mul3A_35 = arith.mulf %sub3A_31, %sub3A_31 : vector<3x1024xf32>
    %reduce_sum3A_36 = arith.constant dense<0.000000e+00> : vector<1024xf32>
    %reduce_sum3A_37 = vector.multi_reduction <add>, %mul3A_35, %reduce_sum3A_36 [0] : vector<3x1024xf32> to vector<1024xf32>
    %broadcast_in_dim3A_38 = vector.shape_cast %reduce_sum3A_37 : vector<1024xf32> to vector<1x1024xf32>
    %sqrt3A = math.sqrt %broadcast_in_dim3A_38 : vector<1x1024xf32>
    %mul3A_39 = arith.mulf %sub3A_32, %sub3A_32 : vector<3x1024xf32>
    %reduce_sum3A_40 = arith.constant dense<0.000000e+00> : vector<1024xf32>
    %reduce_sum3A_41 = vector.multi_reduction <add>, %mul3A_39, %reduce_sum3A_40 [0] : vector<3x1024xf32> to vector<1024xf32>
    %broadcast_in_dim3A_42 = vector.shape_cast %reduce_sum3A_41 : vector<1024xf32> to vector<1x1024xf32>
    %sqrt3A_43 = math.sqrt %broadcast_in_dim3A_42 : vector<1x1024xf32>
    %mul3A_44 = arith.mulf %sqrt3A, %sqrt3A_43 : vector<1x1024xf32>
    %add3A = arith.constant 1.000000e-10 : f32
    %add3A_45 = vector.broadcast %add3A : f32 to vector<1x1024xf32>
    %add3A_46 = arith.addf %mul3A_44, %add3A_45 : vector<1x1024xf32>
    %div3A = arith.divf %broadcast_in_dim3A_34, %add3A_46 : vector<1x1024xf32>
    %jit3A_47 = arith.constant -0.99999988 : f32
    %jit3A_48 = arith.constant 0.99999988 : f32
    %max3A = vector.broadcast %jit3A_47 : f32 to vector<1x1024xf32>
    %max3A_49 = arith.maximumf %max3A, %div3A : vector<1x1024xf32>
    %min3A = vector.broadcast %jit3A_48 : f32 to vector<1x1024xf32>
    %min3A_50 = arith.minimumf %min3A, %max3A_49 : vector<1x1024xf32>
    %sub3A_51 = arith.subf %slice3A_24, %slice3A_25 : vector<3x1024xf32>
    %sub3A_52 = arith.subf %slice3A_29, %slice3A_25 : vector<3x1024xf32>
    %mul3A_53 = arith.mulf %sub3A_51, %sub3A_52 : vector<3x1024xf32>
    %reduce_sum3A_54 = arith.constant dense<0.000000e+00> : vector<1024xf32>
    %reduce_sum3A_55 = vector.multi_reduction <add>, %mul3A_53, %reduce_sum3A_54 [0] : vector<3x1024xf32> to vector<1024xf32>
    %broadcast_in_dim3A_56 = vector.shape_cast %reduce_sum3A_55 : vector<1024xf32> to vector<1x1024xf32>
    %mul3A_57 = arith.mulf %sub3A_51, %sub3A_51 : vector<3x1024xf32>
    %reduce_sum3A_58 = arith.constant dense<0.000000e+00> : vector<1024xf32>
    %reduce_sum3A_59 = vector.multi_reduction <add>, %mul3A_57, %reduce_sum3A_58 [0] : vector<3x1024xf32> to vector<1024xf32>
    %broadcast_in_dim3A_60 = vector.shape_cast %reduce_sum3A_59 : vector<1024xf32> to vector<1x1024xf32>
    %sqrt3A_61 = math.sqrt %broadcast_in_dim3A_60 : vector<1x1024xf32>
    %mul3A_62 = arith.mulf %sub3A_52, %sub3A_52 : vector<3x1024xf32>
    %reduce_sum3A_63 = arith.constant dense<0.000000e+00> : vector<1024xf32>
    %reduce_sum3A_64 = vector.multi_reduction <add>, %mul3A_62, %reduce_sum3A_63 [0] : vector<3x1024xf32> to vector<1024xf32>
    %broadcast_in_dim3A_65 = vector.shape_cast %reduce_sum3A_64 : vector<1024xf32> to vector<1x1024xf32>
    %sqrt3A_66 = math.sqrt %broadcast_in_dim3A_65 : vector<1x1024xf32>
    %mul3A_67 = arith.mulf %sqrt3A_61, %sqrt3A_66 : vector<1x1024xf32>
    %add3A_68 = arith.constant 1.000000e-10 : f32
    %add3A_69 = vector.broadcast %add3A_68 : f32 to vector<1x1024xf32>
    %add3A_70 = arith.addf %mul3A_67, %add3A_69 : vector<1x1024xf32>
    %div3A_71 = arith.divf %broadcast_in_dim3A_56, %add3A_70 : vector<1x1024xf32>
    %jit3A_72 = arith.constant -0.99999988 : f32
    %jit3A_73 = arith.constant 0.99999988 : f32
    %max3A_74 = vector.broadcast %jit3A_72 : f32 to vector<1x1024xf32>
    %max3A_75 = arith.maximumf %max3A_74, %div3A_71 : vector<1x1024xf32>
    %min3A_76 = vector.broadcast %jit3A_73 : f32 to vector<1x1024xf32>
    %min3A_77 = arith.minimumf %min3A_76, %max3A_75 : vector<1x1024xf32>
    %jit3A_78 = arith.constant 2.000000e+00 : f32
    %broadcast_in_dim3A_79 = vector.broadcast %jit3A_78 : f32 to vector<1x1024xf32>
    %select_n3A_80 = arith.select %gt3A_28, %min3A_77, %broadcast_in_dim3A_79 : vector<1x1024xi1>, vector<1x1024xf32>
    %sub3A_81 = arith.subf %slice3A_25, %slice3A_29 : vector<3x1024xf32>
    %sub3A_82 = arith.subf %slice3A_30, %slice3A_29 : vector<3x1024xf32>
    %mul3A_83 = arith.mulf %sub3A_81, %sub3A_82 : vector<3x1024xf32>
    %reduce_sum3A_84 = arith.constant dense<0.000000e+00> : vector<1024xf32>
    %reduce_sum3A_85 = vector.multi_reduction <add>, %mul3A_83, %reduce_sum3A_84 [0] : vector<3x1024xf32> to vector<1024xf32>
    %broadcast_in_dim3A_86 = vector.shape_cast %reduce_sum3A_85 : vector<1024xf32> to vector<1x1024xf32>
    %mul3A_87 = arith.mulf %sub3A_81, %sub3A_81 : vector<3x1024xf32>
    %reduce_sum3A_88 = arith.constant dense<0.000000e+00> : vector<1024xf32>
    %reduce_sum3A_89 = vector.multi_reduction <add>, %mul3A_87, %reduce_sum3A_88 [0] : vector<3x1024xf32> to vector<1024xf32>
    %broadcast_in_dim3A_90 = vector.shape_cast %reduce_sum3A_89 : vector<1024xf32> to vector<1x1024xf32>
    %sqrt3A_91 = math.sqrt %broadcast_in_dim3A_90 : vector<1x1024xf32>
    %mul3A_92 = arith.mulf %sub3A_82, %sub3A_82 : vector<3x1024xf32>
    %reduce_sum3A_93 = arith.constant dense<0.000000e+00> : vector<1024xf32>
    %reduce_sum3A_94 = vector.multi_reduction <add>, %mul3A_92, %reduce_sum3A_93 [0] : vector<3x1024xf32> to vector<1024xf32>
    %broadcast_in_dim3A_95 = vector.shape_cast %reduce_sum3A_94 : vector<1024xf32> to vector<1x1024xf32>
    %sqrt3A_96 = math.sqrt %broadcast_in_dim3A_95 : vector<1x1024xf32>
    %mul3A_97 = arith.mulf %sqrt3A_91, %sqrt3A_96 : vector<1x1024xf32>
    %add3A_98 = arith.constant 1.000000e-10 : f32
    %add3A_99 = vector.broadcast %add3A_98 : f32 to vector<1x1024xf32>
    %add3A_100 = arith.addf %mul3A_97, %add3A_99 : vector<1x1024xf32>
    %div3A_101 = arith.divf %broadcast_in_dim3A_86, %add3A_100 : vector<1x1024xf32>
    %jit3A_102 = arith.constant -0.99999988 : f32
    %jit3A_103 = arith.constant 0.99999988 : f32
    %max3A_104 = vector.broadcast %jit3A_102 : f32 to vector<1x1024xf32>
    %max3A_105 = arith.maximumf %max3A_104, %div3A_101 : vector<1x1024xf32>
    %min3A_106 = vector.broadcast %jit3A_103 : f32 to vector<1x1024xf32>
    %min3A_107 = arith.minimumf %min3A_106, %max3A_105 : vector<1x1024xf32>
    %jit3A_108 = arith.constant 2.000000e+00 : f32
    %broadcast_in_dim3A_109 = vector.broadcast %jit3A_108 : f32 to vector<1x1024xf32>
    %select_n3A_110 = arith.select %gt3A_28, %min3A_107, %broadcast_in_dim3A_109 : vector<1x1024xi1>, vector<1x1024xf32>
    %iota3A = tpu.iota {dimensions = array<i32: 0>} : vector<32x1024xi32>
    %lt3A = arith.constant 10 : i32
    %lt3A_111 = vector.broadcast %lt3A : i32 to vector<32x1024xi32>
    %lt3A_112 = arith.cmpi slt, %iota3A, %lt3A_111 : vector<32x1024xi32>
    %broadcast_in_dim3A_113 = vector.shape_cast %min3A_50 : vector<1x1024xf32> to vector<1x1024xf32>
    %broadcast_in_dim3A_114 = vector.broadcast %broadcast_in_dim3A_113 : vector<1x1024xf32> to vector<32x1024xf32>
    %lt3A_115 = arith.constant 20 : i32
    %lt3A_116 = vector.broadcast %lt3A_115 : i32 to vector<32x1024xi32>
    %lt3A_117 = arith.cmpi slt, %iota3A, %lt3A_116 : vector<32x1024xi32>
    %broadcast_in_dim3A_118 = vector.shape_cast %select_n3A_80 : vector<1x1024xf32> to vector<1x1024xf32>
    %broadcast_in_dim3A_119 = vector.broadcast %broadcast_in_dim3A_118 : vector<1x1024xf32> to vector<32x1024xf32>
    %broadcast_in_dim3A_120 = vector.shape_cast %select_n3A_110 : vector<1x1024xf32> to vector<1x1024xf32>
    %broadcast_in_dim3A_121 = vector.broadcast %broadcast_in_dim3A_120 : vector<1x1024xf32> to vector<32x1024xf32>
    %select_n3A_122 = arith.select %lt3A_117, %broadcast_in_dim3A_119, %broadcast_in_dim3A_121 : vector<32x1024xi1>, vector<32x1024xf32>
    %select_n3A_123 = arith.select %lt3A_112, %broadcast_in_dim3A_114, %select_n3A_122 : vector<32x1024xi1>, vector<32x1024xf32>
    %get3A_124 = arith.constant 0 : index
    %get3A_125 = arith.constant 0 : index
    %get3A_126 = vector.load %arg3[%get3A_124, %get3A_125] : memref<32x128xf32, #tpu.memory_space<vmem>>, vector<32x1xf32>
    %lt3A_127 = vector.broadcast %get3A_126 : vector<32x1xf32> to vector<32x1024xf32>
    %lt3A_128 = arith.cmpf olt, %select_n3A_123, %lt3A_127 : vector<32x1024xf32>
    %jit3A_129 = arith.constant 1.000000e+00 : f32
    %jit3A_130 = arith.constant 0.000000e+00 : f32
    %broadcast_in_dim3A_131 = vector.broadcast %jit3A_129 : f32 to vector<32x1024xf32>
    %broadcast_in_dim3A_132 = vector.broadcast %jit3A_130 : f32 to vector<32x1024xf32>
    %select_n3A_133 = arith.select %lt3A_128, %broadcast_in_dim3A_131, %broadcast_in_dim3A_132 : vector<32x1024xi1>, vector<32x1024xf32>
    %get3A_134 = arith.constant 0 : index
    %get3A_135 = arith.constant 0 : index
    %get3A_136 = vector.load %arg4[%get3A_134, %get3A_135] : memref<32x63xf32, #tpu.memory_space<vmem>>, vector<32x63xf32>
    %dot_general3A = arith.constant dense<0.000000e+00> : vector<1024x63xf32>
    %dot_general3A_137 = tpu.matmul %select_n3A_133, %get3A_136, %dot_general3A {dimension_numbers = #tpu.dot_dimension_numbers<[0], [0], [1], [1], [0, 1, 1, 1], [], []>, transpose_lhs_hint = false} : vector<32x1024xf32>, vector<32x63xf32>, vector<1024x63xf32> -> vector<1024x63xf32>
    %swap3A = arith.constant 0 : index
    %swap3A_138 = arith.constant 0 : index
    %swap3A_139 = arith.constant 0 : index
    %swap3A_140 = vector.load %arg5[%swap3A, %swap3A_138, %swap3A_139] : memref<1x1024x63xf32, #tpu.memory_space<vmem>>, vector<1x1024x63xf32>
    %swap3A_141 = vector.shape_cast %swap3A_140 : vector<1x1024x63xf32> to vector<1024x63xf32>
    %swap3A_142 = vector.shape_cast %dot_general3A_137 : vector<1024x63xf32> to vector<1x1024x63xf32>
    tpu.vector_store %arg5[%swap3A, %swap3A_138, %swap3A_139], %swap3A_142 {strides = array<i32>} : memref<1x1024x63xf32, #tpu.memory_space<vmem>>, vector<1x1024x63xf32>,
    return
  }
  func.func @transform_0(%arg0: i32) -> (i32, i32, i32) {
    %c0_i32 = arith.constant 0 : i32
    %c0_i32_0 = arith.constant 0 : i32
    %c0_i32_1 = arith.constant 0 : i32
    return %arg0, %c0_i32, %c0_i32_0 : i32, i32, i32
  }
  func.func @transform_1(%arg0: i32) -> (i32, i32, i32) {
    %c0_i32 = arith.constant 0 : i32
    %c0_i32_0 = arith.constant 0 : i32
    %c0_i32_1 = arith.constant 0 : i32
    return %arg0, %c0_i32, %c0_i32_0 : i32, i32, i32
  }
  func.func @transform_2(%arg0: i32) -> (i32, i32) {
    %c0_i32 = arith.constant 0 : i32
    %c0_i32_0 = arith.constant 0 : i32
    %c0_i32_1 = arith.constant 0 : i32
    return %c0_i32, %c0_i32_0 : i32, i32
  }
  func.func @transform_3(%arg0: i32) -> (i32, i32) {
    %c0_i32 = arith.constant 0 : i32
    %c0_i32_0 = arith.constant 0 : i32
    %c0_i32_1 = arith.constant 0 : i32
    return %c0_i32, %c0_i32_0 : i32, i32
  }
  func.func @transform_4(%arg0: i32) -> (i32, i32, i32) {
    %c0_i32 = arith.constant 0 : i32
    %c0_i32_0 = arith.constant 0 : i32
    %c0_i32_1 = arith.constant 0 : i32
    return %arg0, %c0_i32, %c0_i32_0 : i32, i32, i32
  }
}

</mosaic_0001>

<sc_bundles>
// kernel: kernel.4.cloned.1.call-start
scs
__scs_entry_jumppad:
0x0: {  	(pc) =	sbr.rel $0x88, $3  }
0x1: {  	(tag) =	ssettag $0x0;
	lr =	simm.s32 $0x1  }
0x2: {  	[smem:$0x3F9F] =	sst lr;
	_ =	strace $0xD0000000  }
0x3: {  	_ = 	snop  }
0x4: {  	_ = 	snop  }
0x5: {  	_ = 	snop  }
0x6: {  	_ = 	snop  }
0x7: {  	_ = 	snop  }
__scs_overlays_trampoline_lowered:
0x8: {  	[smem:$0x3FAE] =	sst s0  }
0x9: {  	[smem:$0x3FAF] =	sst s1  }
0xa: {  	[smem:$0x3FB0] =	sst s2  }
0xb: {  	[smem:$0x3FB1] =	sst s3  }
0xc: {  	[smem:$0x3FB2] =	sst s4  }
0xd: {  	[smem:$0x3FB3] =	sst s5  }
0xe: {  	[smem:$0x3FB4] =	sst s6  }
0xf: {  	[smem:$0x3FB5] =	sst s7  }
0x10: {  	[smem:$0x3FB6] =	sst s8  }
0x11: {  	[smem:$0x3FB7] =	sst s9;
	s0 =	simm.s32 @!p0 $0x0  }
0x12: {  	s1 =	sld [smem:$0x3F9D];
	s0 =	simm.s32 @p0 $0x1  }
0x13: {  	[smem:$0x3FB8] =	sst s0;
	s0 =	simm.s32 @!p1 $0x0  }
0x14: {  	s2 =	sld [smem:$0x3F9C];
	s0 =	simm.s32 @p1 $0x1  }
0x15: {  	[smem:$0x3FB9] =	sst s0;
	s0 =	simm.s32 @!p2 $0x0  }
0x16: {  	s3 =	sld [smem:$0x3FDB];
	s0 =	simm.s32 @p2 $0x1  }
0x17: {  	s4 =	simm.s32 $0x1BF5;
	[smem:$0x3FBB] =	sst s0  }
0x18: {  	s0 =	sld [smem:$0x3F9E];
	_ =	swait.ge [sflag:s4], $0x0  }
0x19: {  	s7 =	sld [smem:$0x3F9F]  }
0x1a: {  	s8 =	sadd.s32 $0xFFFFE003, lr  }
0x1b: {  	s9 =	sadd.s32 $0xFFFFFEF7, lr;
	s5 =	simm.s32 $0xFFFFFFFF;
	p2 =	slt.u32 s8, $0xFFFFF086  }
0x1c: {  	p1 =	slt.u32 s9, $0xF7A;
	s5 =	simm.s32 @!p2 $0x0  }
0x1d: {  	s5 =	simm.s32 @p1 $0x1;
	p0 =	seq.s32 s7, s2  }
0x1e: {  	s7 =	smul.u32 @!p0 $0xF7A, s2;
	p2 =	seq.s32 @!p0 s5, $0x0  }
0x1f: {  	s9 =	smul.u32 $0xF7A, s1;
	s8 =	simm.s32 @!p0 $0x1BF5;
	p2 =	por !p2, p0  }
0x20: {  	[sflag:s8] =	ssyncset.s32 @!p0 $0xFFFFF086;
	s6 =	sadd.s32 @!p0 s3, s7;
	s7 =	simm.s32 @!p0 $0x108  }
0x21: {  	s3 =	sadd.s32 s3, s9;
	s6 =	sadd.s32 @!p0 $0x88, s6;
	s7 =	simm.s32 @p2 $0x1082  }
0x22: {  	[simem:s7], [sflag:s8] =	dma.local @!p0 [hbm:s6], $0xF7A  }
0x23: {  	s9 =	sor.u32 $0xD0000000, s2;
	s6 =	simm.s32 $0x108;
	_ =	swait.ge @!p0 [sflag:s8], $0x0  }
0x24: {  	s3 =	sadd.s32 $0x88, s3;
	s6 =	simm.s32 @!p1 $0x1082;
	[sflag:s4] =	ssyncset.s32 $0xFFFFF086  }
0x25: {  	[simem:s6], [sflag:s4] =	dma.local [hbm:s3], $0xF7A  }
0x26: {  	[smem:$0x3F9F] =	sst s1;
	(tag) =	ssettag s2;
	_ =	strace s9  }
0x27: {  	s1 =	sld [smem:$0x3FAF]  }
0x28: {  	s2 =	sld [smem:$0x3FB0]  }
0x29: {  	s4 =	sld [smem:$0x3FB2]  }
0x2a: {  	p0 =	seq.s32 s5, $0x0;
	s5 =	sld [smem:$0x3FB3]  }
0x2b: {  	s6 =	sld [smem:$0x3FB4]  }
0x2c: {  	s7 =	sld [smem:$0x3FB5]  }
0x2d: {  	s3 =	simm.s32 $0x108;
	s8 =	sld [smem:$0x3FB6]  }
0x2e: {  	s3 =	simm.s32 @!p0 $0x1082;
	s9 =	sld [smem:$0x3FB7]  }
0x2f: {  	lr =	sadd.s32 s0, s3;
	s0 =	sld [smem:$0x3FAE]  }
0x30: {  	s3 =	sld [smem:$0x3FB1]  }
0x31: {  	[smem:$0x3FBA] =	sst s10  }
0x32: {  	s10 =	sld [smem:$0x3FB8];
	_ =	sdelay $0x3  }
0x33: {  	p0 =	seq.s32 s10, $0x1;
	s10 =	sld [smem:$0x3FBA];
	_ =	sdelay $0x3  }
0x34: {  	[smem:$0x3FBA] =	sst s10  }
0x35: {  	s10 =	sld [smem:$0x3FB9];
	_ =	sdelay $0x3  }
0x36: {  	p1 =	seq.s32 s10, $0x1;
	s10 =	sld [smem:$0x3FBA];
	_ =	sdelay $0x3  }
0x37: {  	[smem:$0x3FBA] =	sst s10  }
0x38: {  	s10 =	sld [smem:$0x3FBB]  }
0x39: {  	_ = 	snop;
	(pc) =	sbr.ind lr, $3  }
0x3a: {  	_ = 	snop  }
0x3b: {  	_ = 	snop  }
0x3c: {  	p2 =	seq.s32 s10, $0x1;
	s10 =	sld [smem:$0x3FBA]  }
0x3d: {  	_ =	shalt  }
0x3e: {  	_ =	shalt  }
0x3f: {  	_ =	shalt  }
0x40: {  	_ =	shalt  }
0x41: {  	_ =	shalt  }
0x42: {  	_ =	shalt  }
0x43: {  	_ =	shalt  }
0x44: {  	_ =	shalt  }
0x45: {  	_ =	shalt  }
0x46: {  	_ =	shalt  }
0x47: {  	_ =	shalt  }
0x48: {  	_ =	shalt  }
0x49: {  	_ =	shalt  }
0x4a: {  	_ =	shalt  }
0x4b: {  	_ =	shalt  }
0x4c: {  	_ =	shalt  }
0x4d: {  	_ =	shalt  }
0x4e: {  	_ =	shalt  }
0x4f: {  	_ =	shalt  }
0x50: {  	_ =	shalt  }
0x51: {  	_ =	shalt  }
0x52: {  	_ =	shalt  }
0x53: {  	_ =	shalt  }
0x54: {  	_ =	shalt  }
0x55: {  	_ =	shalt  }
0x56: {  	_ =	shalt  }
0x57: {  	_ =	shalt  }
0x58: {  	_ =	shalt  }
0x59: {  	_ =	shalt  }
0x5a: {  	_ =	shalt  }
0x5b: {  	_ =	shalt  }
0x5c: {  	_ =	shalt  }
0x5d: {  	_ =	shalt  }
0x5e: {  	_ =	shalt  }
0x5f: {  	_ =	shalt  }
0x60: {  	_ =	shalt  }
0x61: {  	_ =	shalt  }
0x62: {  	_ =	shalt  }
0x63: {  	_ =	shalt  }
0x64: {  	_ =	shalt  }
0x65: {  	_ =	shalt  }
0x66: {  	_ =	shalt  }
0x67: {  	_ =	shalt  }
0x68: {  	_ =	shalt  }
0x69: {  	_ =	shalt  }
0x6a: {  	_ =	shalt  }
0x6b: {  	_ =	shalt  }
0x6c: {  	_ =	shalt  }
0x6d: {  	_ =	shalt  }
0x6e: {  	_ =	shalt  }
0x6f: {  	_ =	shalt  }
0x70: {  	_ =	shalt  }
0x71: {  	_ =	shalt  }
0x72: {  	_ =	shalt  }
0x73: {  	_ =	shalt  }
0x74: {  	_ =	shalt  }
0x75: {  	_ =	shalt  }
0x76: {  	_ =	shalt  }
0x77: {  	_ =	shalt  }
0x78: {  	_ =	shalt  }
0x79: {  	_ =	shalt  }
0x7a: {  	_ =	shalt  }
0x7b: {  	_ =	shalt  }
0x7c: {  	_ =	shalt  }
0x7d: {  	_ =	shalt  }
0x7e: {  	_ =	shalt  }
0x7f: {  	_ =	shalt  }
0x80: {  	_ =	shalt  }
0x81: {  	_ =	shalt  }
0x82: {  	_ =	shalt  }
0x83: {  	_ =	shalt  }
0x84: {  	_ =	shalt  }
0x85: {  	_ =	shalt  }
0x86: {  	_ =	shalt  }
0x87: {  	_ =	shalt  }
.Lfunc_end0:
.L_simem_size_0:
called_computation_lowered:
.L_overlay_start_0:
0x88: {  	s2 =	sld [smem:$0x3FD9]  }
0x89: {  	s3 =	sld [smem:$0x3FFE];
	_ =	sdelay $0x1  }
0x8a: {  	s1 =	srdreg.scid  }
0x8b: {  	s0 =	sand.u32 $0x1, s1  }
0x8c: {  	s17 =	sshll.u32 s0, $0xA;
	s2 =	sadd.s32 s3, s2  }
0x8d: {  	s2 =	sadd.s32 s2, s17  }
0x8e: {  	[smem:$0x3FC6] =	sst s2  }
0x8f: {  	_ = 	snop  }
0x90: {  	s2 =	sld [smem:$0x3FD0];
	(tm) =	ssettm $0x1  }
0x91: {  	s18 =	sld [smem:$0x3FFB];
	_ =	sdelay $0x3  }
0x92: {  	_ =	strace s18  }
0x93: {  	s3 =	sld [smem:$0x3FFC];
	_ =	sdelay $0x3  }
0x94: {  	_ =	strace s3  }
0x95: {  	s3 =	sld [smem:$0x3FFD];
	_ =	sdelay $0x3  }
0x96: {  	_ =	strace s3  }
0x97: {  	_ =	strace $0x8FFFFFFF  }
0x98: {  	s19 =	sld [smem:$0x3FDB];
	_ =	sdelay $0x1  }
0x99: {  	s4 =	simm.s32 $_scs_section_size  }
0x9a: {  	s5 =	simm.s32 $_size__tile_overlayer_lowered;
	s6 =	simm.s32 $_tile_overlayer_lowered  }
0x9b: {  	s22 =	simm.s32 $0x1BFF;
	s21 =	sshll.u32 s6, $0x1;
	s3 =	sadd.s32 s4, s19  }
0x9c: {  	s7 =	simm.s32 $0x0;
	s20 =	sshll.u32 s5, $0x1;
	s5 =	sadd.s32 s21, s3  }
0x9d: {  	[timem:s7], [sflag:s22] =	dma.local [hbm:s5], s20  }
0x9e: {  	_ =	swait.ge [sflag:s22], s20  }
0x9f: {  	s4 =	ssub.s32 $0x0, s20;
	[sflag:s22] =	ssyncset.done $0x0  }
0xa0: {  	[sflag:s22] =	ssyncadd.s32 s4;
	_ =	sdelay $0x1  }
0xa1: {  	s23 =	simm.s32 $0x1B8B  }
0xa2: {  	_ =	swait.ge [sflag:s23], $0x1  }
0xa3: {  	[sflag:s23] =	ssyncset.done $0x0  }
0xa4: {  	s25 =	simm.s32 $0x1B8E;
	s24 =	sld [smem:$0x3FFE];
	[sflag:s23] =	ssyncadd.s32 $0xFFFFFFFF  }
0xa5: {  	s26 =	simm.s32 $execute0_lowered;
	[smem:$0x3FD2] =	sst s25  }
0xa6: {  	s5 =	sshll.u32 s26, $0x1;
	_ =	strace $0x80000046;
	[dreg:$0x1] =	wrdreg $0xFFFFFFFF  }
0xa7: {  	s28 =	simm.s32 $_size_execute0_lowered;
	s3 =	sadd.s32 s3, s5;
	[dreg:$0x0] =	wrdreg $0x0  }
0xa8: {  	s5 =	sshll.u32 s28, $0x1;
	[dreg:$0x2] =	wrdreg s3  }
0xa9: {  	[dreg:$0x3] =	wrdreg s5  }
0xaa: {  	[dreg:$0x4] =	wrdreg $0xC0  }
0xab: {  	_ =	task [dreg:s7], $0x5FFFF  }
0xac: {  	[dreg:$0x1] =	wrdreg $0xFFFFFFFF  }
0xad: {  	[dreg:$0x0] =	wrdreg $0x60  }
0xae: {  	[dreg:$0x2] =	wrdreg s24  }
0xaf: {  	[dreg:$0x3] =	wrdreg s2  }
0xb0: {  	[dreg:$0x4] =	wrdreg $0x9  }
0xb1: {  	_ =	task.clear_ibuf [dreg:s7], $0x5FFFF;
	_ =	strace $0x90000046  }
0xb2: {  	s29 =	simm.s32 $0x9;
	_ =	strace $0x80000048  }
0xb3: {  	_ =	swait.ge [sflag:s29], $0x1  }
0xb4: {  	[sflag:s29] =	ssyncadd.s32 $0xFFFFFFFF  }
0xb5: {  	_ =	strace $0x90000048  }
0xb6: {  	_ =	sfence  }
0xb7: {  	s30 =	sld [smem:$0x0];
	_ =	sdelay $0x2  }
0xb8: {  	s31 =	sshll.u32 s1, $0xD;
	s1 =	sshrl.u32 s1, $0x2  }
0xb9: {  	s3 =	sand.u32 $0x4000, s31;
	s1 =	sadd.s32 s1, s30  }
0xba: {  	s0 =	sor.u32 s3, s0;
	s1 =	sshll.u32 s1, $0x11  }
0xbb: {  	s0 =	sor.u32 s1, s0  }
0xbc: {  	s0 =	sadd.s32 $0x8F2B, s0  }
0xbd: {  	[sflag:s0] =	ssyncadd.remote.s32 $0x1  }
0xbe: {  	_ =	sfence.sel $0xFFFF  }
0xbf: {  	[dreg:$0x0] =	wrdreg $0xFFFFFFFF;
	(pc) =	sbr.abs _section_cstart, $3  }
0xc0: {  	[dreg:$0x1] =	wrdreg $0xFFFFFFFF  }
0xc1: {  	_ =	task.clear_ibuf [dreg:s7], $0x2FFFF;
	_ =	strace $0x9FFFFFFF  }
0xc2: {  	(tm) =	ssettm $0x7FFFFFFF  }
0xc3: {  	_ =	shalt  }
tec
execute0_lowered:
.L_overlay_start_1:
0x0: {  	(tag) =	ssettag $0x1  }
0x1: {  	s1 =	srdreg.scid  }
0x2: {  	s0 =	stileid.u32;
	s4 =	rddreg [dreg:$0x0];
	s3 =	sand.u32 $0x1, s1  }
0x3: {  	s8 =	rddreg [dreg:$0x1];
	s30 =	sshll.u32 s0, $0x2;
	s2 =	sshll.u32 s3, $0x1  }
0x4: {  	s1 =	rddreg [dreg:$0x2];
	s9 =	ssub.s32 $0x2, s3;
	s7 =	sor.u32 s2, s30  }
0x5: {  	s2 =	simm.s32 $0x0;
	s10 =	sshrl.u32 s9, $0x1;
	s5 =	smul.u32 $0x3800, s7  }
0x6: {  	s6 =	simm.s32 $0x70;
	[smem:$0x7FF] =	sst s2;
	s9 =	ssub.s32 s9, s10  }
0x7: {  	_ =	strace $0x80000047;
	s31 =	smax.u32 s9, $0x1;
	s4 =	sadd.s32 s5, s4  }
0x8: {  	s5 =	simm.s32 $0x1;
	s3 =	sadd.s32 $0xA00, s4;
	s4 =	simm.s32 $0x10  }
0x9: {  	[tilespmem:s2], [sflag:$0x1] =	stream.strided.gather [hbm4b:s3+s4], $0x8000, s6, s4, $0x38;
	[tilespmem:$0x8000] =	vst v63  }
0xa: {  	p0 =	sne.s32 s31, $0x1;
	_ =	swait.ge [sflag:s5], $0x8000  }
.Ltmp0:
0xb: {  	s7 =	sshll.u32 s7, $0xB;
	[sflag:s5] =	ssyncset.done $0x0;
	(pc) =	sbr.rel @!p0 .LBB2_2-.Ltmp0, $4  }
0xc: {  	s7 =	sadd.s32 s8, s7;
	[sflag:s5] =	ssyncadd.s32 $0xFFFF8000  }
0xd: {  	[hbm4b:s7+s2] =	stream.linear.scatter [tilespmem:s2], [sflag:$0x1], $0x8000, $0x38;
	[tilespmem:$0x8000] =	vst v63  }
0xe: {  	_ =	swait.ge [sflag:s5], $0x8000  }
0xf: {  	s8 =	sadd.s32 $0xFFFFFFFF, s31;
	[sflag:s5] =	ssyncset.done $0x0  }
.LBB2_1:
0x10: {  	p0 =	sne.s32 s8, $0x1;
	s8 =	sadd.s32 $0xFFFFFFFF, s8;
	[sflag:s5] =	ssyncadd.s32 $0xFFFF8000  }
0x11: {  	[tilespmem:s2], [sflag:$0x1] =	stream.strided.gather [hbm4b:s3+s4], $0x8000, s6, s4, $0x38;
	[tilespmem:$0x8000] =	vst v63  }
0x12: {  	_ =	swait.ge [sflag:s5], $0x8000  }
.Ltmp1:
0x13: {  	[sflag:s5] =	ssyncset.done $0x0;
	(pc) =	sbr.rel @p0 .LBB2_1-.Ltmp1, $4  }
0x14: {  	[sflag:s5] =	ssyncadd.s32 $0xFFFF8000  }
0x15: {  	[hbm4b:s7+s2] =	stream.linear.scatter [tilespmem:s2], [sflag:$0x1], $0x8000, $0x38;
	[tilespmem:$0x8000] =	vst v63  }
0x16: {  	_ =	swait.ge [sflag:s5], $0x8000  }
0x17: {  	[sflag:s5] =	ssyncset.done $0x0  }
.LBB2_2:
0x18: {  	[sflag:s5] =	ssyncadd.s32 $0xFFFF8000  }
0x19: {  	_ =	sfence.sel $0x180000  }
0x1a: {  	[bflag:$0x0] =	sbarrier.arrive $0xFFFF  }
0x1b: {  	p0 =	sne.s32 s0, $0x0;
	_ =	strace $0x90000047  }
0x1c: {  	s0 =	sadd.s32 @!p0 $0x100000, s1;
	[bflag:$0x2] =	sbarrier.arrive $0xFFFF  }
0x1d: {  	[sflag:s0] =	ssyncadd.tile.s32 @!p0 $0x1;
	_ =	shalt  }
.Lfunc_end2:
_tile_overlayer_lowered:
.L_overlay_start_2:
0x1e: {  	(tag) =	ssettag $0x2  }
0x1f: {  	s0 =	rddreg [dreg:$0x0];
	s2 =	stileid.u32  }
0x20: {  	s1 =	rddreg [dreg:$0x1];
	p0 =	sne.s32 s2, $0x0  }
0x21: {  	s3 =	rddreg [dreg:$0x2];
	[bflag:$0x3] =	sbarrier.arrive $0xFFFF;
	s2 =	simm.s32 @!p0 $0x1C01  }
0x22: {  	[timem:s3], [sflag:s2] =	dma.local @!p0 [hbm:s0], s1  }
0x23: {  	s0 =	simm.s32 @!p0 $0x1  }
0x24: {  	_ =	swait.ge @!p0 [sflag:s0], s1  }
0x25: {  	s1 =	ssub.s32 @!p0 $0x0, s1;
	[sflag:s0] =	ssyncset.done @!p0 $0x0  }
0x26: {  	[sflag:s0] =	ssyncadd.s32 @!p0 s1  }
0x27: {  	[bflag:$0x3] =	sbarrier.arrive $0xFFFF  }
0x28: {  	_ =	shalt  }

</sc_bundles>
